<compile_context>
chip_gen: v7x
topology: tpu7x:2x2x1
jax: 0.10.2.dev20260603
libtpu: 0.0.44.dev20260713+nightly
codegen_flags: <defaults>
</compile_context>

<pallas_src>
import functools

import jax
import jax.numpy as jnp
from jax import lax
from jax.experimental import pallas as pl
from jax.experimental.pallas import tpu as pltpu
from jax.experimental.pallas import tpu_sc as plsc

_L = 16


@functools.partial(
    pl.kernel,
    out_type=jax.ShapeDtypeStruct((128,), jnp.float32),
    mesh=plsc.VectorSubcoreMesh(
        core_axis_name="c", subcore_axis_name="s", num_cores=1, num_subcores=1
    ),
    scratch_types=[
        pltpu.VMEM((128,), jnp.float32),
        pltpu.VMEM((128,), jnp.float32),
    ],
)
def _sc_row_add(key_hbm, cache_hbm, out_hbm, key_v, row_v):
    pltpu.sync_copy(key_hbm, key_v)
    pltpu.sync_copy(cache_hbm.at[1, 0, 1], row_v)
    for i in range(128 // _L):
        sl = pl.ds(i * _L, _L)
        row_v[sl] = row_v[sl] + 2.0 * key_v[sl]
    pltpu.sync_copy(row_v, out_hbm)


def _tc_copy(cache_ref, out_ref):
    out_ref[...] = cache_ref[...]


def _tc_scatter_row(row_ref, cache_ref, out_ref):
    blk = cache_ref[...]
    row_ids = jax.lax.broadcasted_iota(jnp.int32, blk.shape, 2)
    out_ref[...] = jnp.where(row_ids == 1, row_ref[0, :], blk)


def kernel(key, cache_next):
    new_row = _sc_row_add(key, cache_next)
    bulk = pl.pallas_call(
        _tc_copy,
        out_shape=jax.ShapeDtypeStruct(cache_next.shape, cache_next.dtype),
        grid=(8, 4),
        in_specs=[pl.BlockSpec((1, 4, 4096, 128), lambda i, j: (i, j, 0, 0))],
        out_specs=pl.BlockSpec((1, 4, 4096, 128), lambda i, j: (i, j, 0, 0)),
        compiler_params=pltpu.CompilerParams(
            dimension_semantics=("parallel", "parallel"),
        ),
    )(cache_next)
    new_cache = pl.pallas_call(
        _tc_scatter_row,
        out_shape=jax.ShapeDtypeStruct(cache_next.shape, cache_next.dtype),
        grid=(1,),
        in_specs=[
            pl.BlockSpec((1, 128), lambda i: (0, 0)),
            pl.BlockSpec((1, 1, 8, 128), lambda i: (1, 0, 0, 0)),
        ],
        out_specs=pl.BlockSpec((1, 1, 8, 128), lambda i: (1, 0, 0, 0)),
        input_output_aliases={1: 0},
    )(new_row.reshape(1, 128), bulk)
    return key, new_cache

# --- scband reference (transcript-rebuilt; emitter-appended) ---
"""Pipeline reference for scband-cache-11879879541726 (READ-ONLY COPY).

The authoritative reference and input builder live on the scoring server;
editing this copy changes nothing except your own understanding.
"""

import jax, jax.numpy as jnp
import numpy as np


def setup_inputs() -> dict:
    root = jax.random.key(0)
    k1, k2 = jax.random.split(root)
    key_t = jax.random.normal(k1, (128,), dtype=jnp.float32)
    cache_next = jax.random.normal(k2, (8, 16, 4096, 128), dtype=jnp.float32)
    return {"key": key_t, "cache_next": cache_next}


def reference(key, cache_next):
    # torch: cache_next[1, 0, 1] = cache_next[1, 0, 1] + 2 * key ; return key
    # JAX functional equivalent: scatter-add into the cache slot and return
    # (key, updated_cache) since the in-place mutation is the module's effect.
    new_cache = cache_next.at[1, 0, 1].add(2.0 * key)
    return key, new_cache

if __name__ == "__main__":
    import jax
    _d = setup_inputs()
    print(jax.jit(kernel)(*tuple(_d.values())))

</pallas_src>

<mosaic_0001>
#map = affine_map<(d0, d1) -> (0)>
#map1 = affine_map<(d0, d1) -> (0, 0, 0, 0)>
module attributes {stable_mosaic.version = 14 : i64} {
  func.func @_sc_row_add(%arg0: i32, %arg1: i32, %arg2: memref<128xf32, #tpu.memory_space<hbm>>, %arg3: memref<8x16x4096x128xf32, #tpu.memory_space<hbm>>, %arg4: memref<128xf32, #tpu.memory_space<hbm>>, %arg5: memref<128xf32, #tpu.memory_space<vmem>>, %arg6: memref<128xf32, #tpu.memory_space<vmem>>) attributes {dimension_semantics = [#tpu.dimension_semantics<core_parallel>, #tpu.dimension_semantics<subcore_parallel>], iteration_bounds = array<i64: 1, 1>, scalar_prefetch = 0 : i64, scratch_operands = 2 : i64, tpu.core_type = #tpu.core_type<sc_vector_subcore>, window_params = [{transform_indices = #map}, {transform_indices = #map1}, {transform_indices = #map}]} {
    "tpu.region"() ({
      %run_scoped3A_110 = tpu.sem_alloc : memref<!tpu.dma_semaphore, #tpu.memory_space<semaphore_mem>>
      tpu.enqueue_dma source(%arg2 : memref<128xf32, #tpu.memory_space<hbm>>) target(%arg5 : memref<128xf32, #tpu.memory_space<vmem>>) target_semaphore(%run_scoped3A_110 : memref<!tpu.dma_semaphore, #tpu.memory_space<semaphore_mem>>)
      tpu.wait_dma2 semaphore(%run_scoped3A_110 : memref<!tpu.dma_semaphore, #tpu.memory_space<semaphore_mem>>) src(%arg2 : memref<128xf32, #tpu.memory_space<hbm>>) dst(%arg5 : memref<128xf32, #tpu.memory_space<vmem>>)
      tpu.yield
    }) : () -> ()
    %run_scoped3A = arith.constant 1 : i32
    %run_scoped3A_0 = arith.constant 0 : i32
    %run_scoped3A_1 = arith.constant 1 : i32
    "tpu.region"() ({
      %run_scoped3A_110 = tpu.sem_alloc : memref<!tpu.dma_semaphore, #tpu.memory_space<semaphore_mem>>
      %dma_start3A = arith.constant 0 : i32
      %dma_start3A_111 = tpu.memref_slice %arg3[%run_scoped3A, %run_scoped3A_0, %run_scoped3A_1, %dma_start3A] : memref<8x16x4096x128xf32, #tpu.memory_space<hbm>> -> memref<1x1x1x128xf32, #tpu.memory_space<hbm>>
      %dma_start3A_112 = tpu.memref_squeeze %dma_start3A_111 : memref<1x1x1x128xf32, #tpu.memory_space<hbm>> -> memref<128xf32, #tpu.memory_space<hbm>>
      %dma_start3A_113 = arith.constant 0 : i32
      %dma_start3A_114 = tpu.memref_slice %arg3[%run_scoped3A, %run_scoped3A_0, %run_scoped3A_1, %dma_start3A_113] : memref<8x16x4096x128xf32, #tpu.memory_space<hbm>> -> memref<1x1x1x128xf32, #tpu.memory_space<hbm>>
      %dma_start3A_115 = tpu.memref_squeeze %dma_start3A_114 : memref<1x1x1x128xf32, #tpu.memory_space<hbm>> -> memref<128xf32, #tpu.memory_space<hbm>>
      tpu.enqueue_dma source(%dma_start3A_115 : memref<128xf32, #tpu.memory_space<hbm>>) target(%arg6 : memref<128xf32, #tpu.memory_space<vmem>>) target_semaphore(%run_scoped3A_110 : memref<!tpu.dma_semaphore, #tpu.memory_space<semaphore_mem>>)
      %dma_wait3A = arith.constant 0 : i32
      %dma_wait3A_116 = tpu.memref_slice %arg3[%run_scoped3A, %run_scoped3A_0, %run_scoped3A_1, %dma_wait3A] : memref<8x16x4096x128xf32, #tpu.memory_space<hbm>> -> memref<1x1x1x128xf32, #tpu.memory_space<hbm>>
      %dma_wait3A_117 = tpu.memref_squeeze %dma_wait3A_116 : memref<1x1x1x128xf32, #tpu.memory_space<hbm>> -> memref<128xf32, #tpu.memory_space<hbm>>
      %dma_wait3A_118 = arith.constant 0 : i32
      %dma_wait3A_119 = tpu.memref_slice %arg3[%run_scoped3A, %run_scoped3A_0, %run_scoped3A_1, %dma_wait3A_118] : memref<8x16x4096x128xf32, #tpu.memory_space<hbm>> -> memref<1x1x1x128xf32, #tpu.memory_space<hbm>>
      %dma_wait3A_120 = tpu.memref_squeeze %dma_wait3A_119 : memref<1x1x1x128xf32, #tpu.memory_space<hbm>> -> memref<128xf32, #tpu.memory_space<hbm>>
      tpu.wait_dma2 semaphore(%run_scoped3A_110 : memref<!tpu.dma_semaphore, #tpu.memory_space<semaphore_mem>>) src(%dma_wait3A_120 : memref<128xf32, #tpu.memory_space<hbm>>) dst(%arg6 : memref<128xf32, #tpu.memory_space<vmem>>)
      tpu.yield
    }) : () -> ()
    %get3A = arith.constant 0 : index
    %get3A_2 = tpu.vector_load %arg6[%get3A] {strides = array<i32>} : memref<128xf32, #tpu.memory_space<vmem>>, vector<16xf32>,
    %get3A_3 = vector.shape_cast %get3A_2 : vector<16xf32> to vector<16xf32>
    %get3A_4 = arith.constant 0 : index
    %get3A_5 = tpu.vector_load %arg5[%get3A_4] {strides = array<i32>} : memref<128xf32, #tpu.memory_space<vmem>>, vector<16xf32>,
    %get3A_6 = vector.shape_cast %get3A_5 : vector<16xf32> to vector<16xf32>
    %mul3A = arith.constant 2.000000e+00 : f32
    %mul3A_7 = vector.broadcast %mul3A : f32 to vector<16xf32>
    %mul3A_8 = arith.mulf %mul3A_7, %get3A_6 : vector<16xf32>
    %add3A = arith.addf %get3A_3, %mul3A_8 : vector<16xf32>
    %swap3A = arith.constant 0 : index
    %swap3A_9 = tpu.vector_load %arg6[%swap3A] {strides = array<i32>} : memref<128xf32, #tpu.memory_space<vmem>>, vector<16xf32>,
    %swap3A_10 = vector.shape_cast %swap3A_9 : vector<16xf32> to vector<16xf32>
    %swap3A_11 = vector.shape_cast %add3A : vector<16xf32> to vector<16xf32>
    tpu.vector_store %arg6[%swap3A], %swap3A_11 {strides = array<i32>} : memref<128xf32, #tpu.memory_space<vmem>>, vector<16xf32>,
    %get3A_12 = arith.constant 16 : index
    %get3A_13 = tpu.vector_load %arg6[%get3A_12] {strides = array<i32>} : memref<128xf32, #tpu.memory_space<vmem>>, vector<16xf32>,
    %get3A_14 = vector.shape_cast %get3A_13 : vector<16xf32> to vector<16xf32>
    %get3A_15 = arith.constant 16 : index
    %get3A_16 = tpu.vector_load %arg5[%get3A_15] {strides = array<i32>} : memref<128xf32, #tpu.memory_space<vmem>>, vector<16xf32>,
    %get3A_17 = vector.shape_cast %get3A_16 : vector<16xf32> to vector<16xf32>
    %mul3A_18 = arith.constant 2.000000e+00 : f32
    %mul3A_19 = vector.broadcast %mul3A_18 : f32 to vector<16xf32>
    %mul3A_20 = arith.mulf %mul3A_19, %get3A_17 : vector<16xf32>
    %add3A_21 = arith.addf %get3A_14, %mul3A_20 : vector<16xf32>
    %swap3A_22 = arith.constant 16 : index
    %swap3A_23 = tpu.vector_load %arg6[%swap3A_22] {strides = array<i32>} : memref<128xf32, #tpu.memory_space<vmem>>, vector<16xf32>,
    %swap3A_24 = vector.shape_cast %swap3A_23 : vector<16xf32> to vector<16xf32>
    %swap3A_25 = vector.shape_cast %add3A_21 : vector<16xf32> to vector<16xf32>
    tpu.vector_store %arg6[%swap3A_22], %swap3A_25 {strides = array<i32>} : memref<128xf32, #tpu.memory_space<vmem>>, vector<16xf32>,
    %get3A_26 = arith.constant 32 : index
    %get3A_27 = tpu.vector_load %arg6[%get3A_26] {strides = array<i32>} : memref<128xf32, #tpu.memory_space<vmem>>, vector<16xf32>,
    %get3A_28 = vector.shape_cast %get3A_27 : vector<16xf32> to vector<16xf32>
    %get3A_29 = arith.constant 32 : index
    %get3A_30 = tpu.vector_load %arg5[%get3A_29] {strides = array<i32>} : memref<128xf32, #tpu.memory_space<vmem>>, vector<16xf32>,
    %get3A_31 = vector.shape_cast %get3A_30 : vector<16xf32> to vector<16xf32>
    %mul3A_32 = arith.constant 2.000000e+00 : f32
    %mul3A_33 = vector.broadcast %mul3A_32 : f32 to vector<16xf32>
    %mul3A_34 = arith.mulf %mul3A_33, %get3A_31 : vector<16xf32>
    %add3A_35 = arith.addf %get3A_28, %mul3A_34 : vector<16xf32>
    %swap3A_36 = arith.constant 32 : index
    %swap3A_37 = tpu.vector_load %arg6[%swap3A_36] {strides = array<i32>} : memref<128xf32, #tpu.memory_space<vmem>>, vector<16xf32>,
    %swap3A_38 = vector.shape_cast %swap3A_37 : vector<16xf32> to vector<16xf32>
    %swap3A_39 = vector.shape_cast %add3A_35 : vector<16xf32> to vector<16xf32>
    tpu.vector_store %arg6[%swap3A_36], %swap3A_39 {strides = array<i32>} : memref<128xf32, #tpu.memory_space<vmem>>, vector<16xf32>,
    %get3A_40 = arith.constant 48 : index
    %get3A_41 = tpu.vector_load %arg6[%get3A_40] {strides = array<i32>} : memref<128xf32, #tpu.memory_space<vmem>>, vector<16xf32>,
    %get3A_42 = vector.shape_cast %get3A_41 : vector<16xf32> to vector<16xf32>
    %get3A_43 = arith.constant 48 : index
    %get3A_44 = tpu.vector_load %arg5[%get3A_43] {strides = array<i32>} : memref<128xf32, #tpu.memory_space<vmem>>, vector<16xf32>,
    %get3A_45 = vector.shape_cast %get3A_44 : vector<16xf32> to vector<16xf32>
    %mul3A_46 = arith.constant 2.000000e+00 : f32
    %mul3A_47 = vector.broadcast %mul3A_46 : f32 to vector<16xf32>
    %mul3A_48 = arith.mulf %mul3A_47, %get3A_45 : vector<16xf32>
    %add3A_49 = arith.addf %get3A_42, %mul3A_48 : vector<16xf32>
    %swap3A_50 = arith.constant 48 : index
    %swap3A_51 = tpu.vector_load %arg6[%swap3A_50] {strides = array<i32>} : memref<128xf32, #tpu.memory_space<vmem>>, vector<16xf32>,
    %swap3A_52 = vector.shape_cast %swap3A_51 : vector<16xf32> to vector<16xf32>
    %swap3A_53 = vector.shape_cast %add3A_49 : vector<16xf32> to vector<16xf32>
    tpu.vector_store %arg6[%swap3A_50], %swap3A_53 {strides = array<i32>} : memref<128xf32, #tpu.memory_space<vmem>>, vector<16xf32>,
    %get3A_54 = arith.constant 64 : index
    %get3A_55 = tpu.vector_load %arg6[%get3A_54] {strides = array<i32>} : memref<128xf32, #tpu.memory_space<vmem>>, vector<16xf32>,
    %get3A_56 = vector.shape_cast %get3A_55 : vector<16xf32> to vector<16xf32>
    %get3A_57 = arith.constant 64 : index
    %get3A_58 = tpu.vector_load %arg5[%get3A_57] {strides = array<i32>} : memref<128xf32, #tpu.memory_space<vmem>>, vector<16xf32>,
    %get3A_59 = vector.shape_cast %get3A_58 : vector<16xf32> to vector<16xf32>
    %mul3A_60 = arith.constant 2.000000e+00 : f32
    %mul3A_61 = vector.broadcast %mul3A_60 : f32 to vector<16xf32>
    %mul3A_62 = arith.mulf %mul3A_61, %get3A_59 : vector<16xf32>
    %add3A_63 = arith.addf %get3A_56, %mul3A_62 : vector<16xf32>
    %swap3A_64 = arith.constant 64 : index
    %swap3A_65 = tpu.vector_load %arg6[%swap3A_64] {strides = array<i32>} : memref<128xf32, #tpu.memory_space<vmem>>, vector<16xf32>,
    %swap3A_66 = vector.shape_cast %swap3A_65 : vector<16xf32> to vector<16xf32>
    %swap3A_67 = vector.shape_cast %add3A_63 : vector<16xf32> to vector<16xf32>
    tpu.vector_store %arg6[%swap3A_64], %swap3A_67 {strides = array<i32>} : memref<128xf32, #tpu.memory_space<vmem>>, vector<16xf32>,
    %get3A_68 = arith.constant 80 : index
    %get3A_69 = tpu.vector_load %arg6[%get3A_68] {strides = array<i32>} : memref<128xf32, #tpu.memory_space<vmem>>, vector<16xf32>,
    %get3A_70 = vector.shape_cast %get3A_69 : vector<16xf32> to vector<16xf32>
    %get3A_71 = arith.constant 80 : index
    %get3A_72 = tpu.vector_load %arg5[%get3A_71] {strides = array<i32>} : memref<128xf32, #tpu.memory_space<vmem>>, vector<16xf32>,
    %get3A_73 = vector.shape_cast %get3A_72 : vector<16xf32> to vector<16xf32>
    %mul3A_74 = arith.constant 2.000000e+00 : f32
    %mul3A_75 = vector.broadcast %mul3A_74 : f32 to vector<16xf32>
    %mul3A_76 = arith.mulf %mul3A_75, %get3A_73 : vector<16xf32>
    %add3A_77 = arith.addf %get3A_70, %mul3A_76 : vector<16xf32>
    %swap3A_78 = arith.constant 80 : index
    %swap3A_79 = tpu.vector_load %arg6[%swap3A_78] {strides = array<i32>} : memref<128xf32, #tpu.memory_space<vmem>>, vector<16xf32>,
    %swap3A_80 = vector.shape_cast %swap3A_79 : vector<16xf32> to vector<16xf32>
    %swap3A_81 = vector.shape_cast %add3A_77 : vector<16xf32> to vector<16xf32>
    tpu.vector_store %arg6[%swap3A_78], %swap3A_81 {strides = array<i32>} : memref<128xf32, #tpu.memory_space<vmem>>, vector<16xf32>,
    %get3A_82 = arith.constant 96 : index
    %get3A_83 = tpu.vector_load %arg6[%get3A_82] {strides = array<i32>} : memref<128xf32, #tpu.memory_space<vmem>>, vector<16xf32>,
    %get3A_84 = vector.shape_cast %get3A_83 : vector<16xf32> to vector<16xf32>
    %get3A_85 = arith.constant 96 : index
    %get3A_86 = tpu.vector_load %arg5[%get3A_85] {strides = array<i32>} : memref<128xf32, #tpu.memory_space<vmem>>, vector<16xf32>,
    %get3A_87 = vector.shape_cast %get3A_86 : vector<16xf32> to vector<16xf32>
    %mul3A_88 = arith.constant 2.000000e+00 : f32
    %mul3A_89 = vector.broadcast %mul3A_88 : f32 to vector<16xf32>
    %mul3A_90 = arith.mulf %mul3A_89, %get3A_87 : vector<16xf32>
    %add3A_91 = arith.addf %get3A_84, %mul3A_90 : vector<16xf32>
    %swap3A_92 = arith.constant 96 : index
    %swap3A_93 = tpu.vector_load %arg6[%swap3A_92] {strides = array<i32>} : memref<128xf32, #tpu.memory_space<vmem>>, vector<16xf32>,
    %swap3A_94 = vector.shape_cast %swap3A_93 : vector<16xf32> to vector<16xf32>
    %swap3A_95 = vector.shape_cast %add3A_91 : vector<16xf32> to vector<16xf32>
    tpu.vector_store %arg6[%swap3A_92], %swap3A_95 {strides = array<i32>} : memref<128xf32, #tpu.memory_space<vmem>>, vector<16xf32>,
    %get3A_96 = arith.constant 112 : index
    %get3A_97 = tpu.vector_load %arg6[%get3A_96] {strides = array<i32>} : memref<128xf32, #tpu.memory_space<vmem>>, vector<16xf32>,
    %get3A_98 = vector.shape_cast %get3A_97 : vector<16xf32> to vector<16xf32>
    %get3A_99 = arith.constant 112 : index
    %get3A_100 = tpu.vector_load %arg5[%get3A_99] {strides = array<i32>} : memref<128xf32, #tpu.memory_space<vmem>>, vector<16xf32>,
    %get3A_101 = vector.shape_cast %get3A_100 : vector<16xf32> to vector<16xf32>
    %mul3A_102 = arith.constant 2.000000e+00 : f32
    %mul3A_103 = vector.broadcast %mul3A_102 : f32 to vector<16xf32>
    %mul3A_104 = arith.mulf %mul3A_103, %get3A_101 : vector<16xf32>
    %add3A_105 = arith.addf %get3A_98, %mul3A_104 : vector<16xf32>
    %swap3A_106 = arith.constant 112 : index
    %swap3A_107 = tpu.vector_load %arg6[%swap3A_106] {strides = array<i32>} : memref<128xf32, #tpu.memory_space<vmem>>, vector<16xf32>,
    %swap3A_108 = vector.shape_cast %swap3A_107 : vector<16xf32> to vector<16xf32>
    %swap3A_109 = vector.shape_cast %add3A_105 : vector<16xf32> to vector<16xf32>
    tpu.vector_store %arg6[%swap3A_106], %swap3A_109 {strides = array<i32>} : memref<128xf32, #tpu.memory_space<vmem>>, vector<16xf32>,
    "tpu.region"() ({
      %run_scoped3A_110 = tpu.sem_alloc : memref<!tpu.dma_semaphore, #tpu.memory_space<semaphore_mem>>
      tpu.enqueue_dma source(%arg6 : memref<128xf32, #tpu.memory_space<vmem>>) target(%arg4 : memref<128xf32, #tpu.memory_space<hbm>>) target_semaphore(%run_scoped3A_110 : memref<!tpu.dma_semaphore, #tpu.memory_space<semaphore_mem>>)
      tpu.wait_dma2 semaphore(%run_scoped3A_110 : memref<!tpu.dma_semaphore, #tpu.memory_space<semaphore_mem>>) src(%arg6 : memref<128xf32, #tpu.memory_space<vmem>>) dst(%arg4 : memref<128xf32, #tpu.memory_space<hbm>>)
      tpu.yield
    }) : () -> ()
    return
  }
}

module attributes {stable_mosaic.version = 14 : i64} {
  func.func @_tc_copy(%arg0: i32, %arg1: i32, %arg2: memref<1x4x4096x128xf32, #tpu.memory_space<vmem>>, %arg3: memref<1x4x4096x128xf32, #tpu.memory_space<vmem>>) attributes {dimension_semantics = [#tpu.dimension_semantics<parallel>, #tpu.dimension_semantics<parallel>], iteration_bounds = array<i64: 8, 4>, scalar_prefetch = 0 : i64, scratch_operands = 0 : i64, tpu.core_type = #tpu.core_type<tc>, window_params = [{transform_indices = @transform_0, window_bounds = array<i64: 1, 4, 4096, 128>}, {transform_indices = @transform_1, window_bounds = array<i64: 1, 4, 4096, 128>}]} {
    %get3A = arith.constant 0 : index
    %get3A_0 = arith.constant 0 : index
    %get3A_1 = arith.constant 0 : index
    %get3A_2 = arith.constant 0 : index
    %get3A_3 = vector.load %arg2[%get3A, %get3A_0, %get3A_1, %get3A_2] : memref<1x4x4096x128xf32, #tpu.memory_space<vmem>>, vector<1x4x4096x128xf32>
    %swap3A = arith.constant 0 : index
    %swap3A_4 = arith.constant 0 : index
    %swap3A_5 = arith.constant 0 : index
    %swap3A_6 = arith.constant 0 : index
    %swap3A_7 = vector.load %arg3[%swap3A, %swap3A_4, %swap3A_5, %swap3A_6] : memref<1x4x4096x128xf32, #tpu.memory_space<vmem>>, vector<1x4x4096x128xf32>
    tpu.vector_store %arg3[%swap3A, %swap3A_4, %swap3A_5, %swap3A_6], %get3A_3 {strides = array<i32>} : memref<1x4x4096x128xf32, #tpu.memory_space<vmem>>, vector<1x4x4096x128xf32>,
    return
  }
  func.func @transform_0(%arg0: i32, %arg1: i32) -> (i32, i32, i32, i32) {
    %c0_i32 = arith.constant 0 : i32
    %c0_i32_0 = arith.constant 0 : i32
    %c0_i32_1 = arith.constant 0 : i32
    return %arg0, %arg1, %c0_i32, %c0_i32_0 : i32, i32, i32, i32
  }
  func.func @transform_1(%arg0: i32, %arg1: i32) -> (i32, i32, i32, i32) {
    %c0_i32 = arith.constant 0 : i32
    %c0_i32_0 = arith.constant 0 : i32
    %c0_i32_1 = arith.constant 0 : i32
    return %arg0, %arg1, %c0_i32, %c0_i32_0 : i32, i32, i32, i32
  }
}

module attributes {stable_mosaic.version = 14 : i64} {
  func.func @_tc_scatter_row(%arg0: i32, %arg1: memref<1x128xf32, #tpu.memory_space<vmem>>, %arg2: memref<1x1x8x128xf32, #tpu.memory_space<vmem>>, %arg3: memref<1x1x8x128xf32, #tpu.memory_space<vmem>>) attributes {dimension_semantics = [#tpu.dimension_semantics<arbitrary>], iteration_bounds = array<i64: 1>, scalar_prefetch = 0 : i64, scratch_operands = 0 : i64, tpu.core_type = #tpu.core_type<tc>, window_params = [{pipeline_mode = #tpu.pipeline_mode<synchronous>, transform_indices = @transform_0, window_bounds = array<i64: 1, 128>}, {transform_indices = @transform_1, window_bounds = array<i64: 1, 1, 8, 128>}, {transform_indices = @transform_2, window_bounds = array<i64: 1, 1, 8, 128>}]} {
    %get3A = arith.constant 0 : index
    %get3A_0 = arith.constant 0 : index
    %get3A_1 = arith.constant 0 : index
    %get3A_2 = arith.constant 0 : index
    %get3A_3 = vector.load %arg2[%get3A, %get3A_0, %get3A_1, %get3A_2] : memref<1x1x8x128xf32, #tpu.memory_space<vmem>>, vector<1x1x8x128xf32>
    %iota3A = tpu.iota {dimensions = array<i32: 2>} : vector<1x1x8x128xi32>
    %eq3A = arith.constant 1 : i32
    %eq3A_4 = vector.broadcast %eq3A : i32 to vector<1x1x8x128xi32>
    %eq3A_5 = arith.cmpi eq, %iota3A, %eq3A_4 : vector<1x1x8x128xi32>
    %get3A_6 = arith.constant 0 : index
    %get3A_7 = arith.constant 0 : index
    %get3A_8 = vector.load %arg1[%get3A_6, %get3A_7] : memref<1x128xf32, #tpu.memory_space<vmem>>, vector<1x128xf32>
    %get3A_9 = vector.shape_cast %get3A_8 : vector<1x128xf32> to vector<128xf32>
    %broadcast_in_dim3A = vector.shape_cast %get3A_9 : vector<128xf32> to vector<1x1x1x128xf32>
    %broadcast_in_dim3A_10 = vector.broadcast %broadcast_in_dim3A : vector<1x1x1x128xf32> to vector<1x1x8x128xf32>
    %select_n3A = arith.select %eq3A_5, %broadcast_in_dim3A_10, %get3A_3 : vector<1x1x8x128xi1>, vector<1x1x8x128xf32>
    %swap3A = arith.constant 0 : index
    %swap3A_11 = arith.constant 0 : index
    %swap3A_12 = arith.constant 0 : index
    %swap3A_13 = arith.constant 0 : index
    %swap3A_14 = vector.load %arg3[%swap3A, %swap3A_11, %swap3A_12, %swap3A_13] : memref<1x1x8x128xf32, #tpu.memory_space<vmem>>, vector<1x1x8x128xf32>
    tpu.vector_store %arg3[%swap3A, %swap3A_11, %swap3A_12, %swap3A_13], %select_n3A {strides = array<i32>} : memref<1x1x8x128xf32, #tpu.memory_space<vmem>>, vector<1x1x8x128xf32>,
    return
  }
  func.func @transform_0(%arg0: i32) -> (i32, i32) {
    %c0_i32 = arith.constant 0 : i32
    %c0_i32_0 = arith.constant 0 : i32
    %c0_i32_1 = arith.constant 0 : i32
    return %c0_i32, %c0_i32_0 : i32, i32
  }
  func.func @transform_1(%arg0: i32) -> (i32, i32, i32, i32) {
    %c1_i32 = arith.constant 1 : i32
    %c0_i32 = arith.constant 0 : i32
    %c0_i32_0 = arith.constant 0 : i32
    %c0_i32_1 = arith.constant 0 : i32
    %c0_i32_2 = arith.constant 0 : i32
    return %c1_i32, %c0_i32, %c0_i32_0, %c0_i32_1 : i32, i32, i32, i32
  }
  func.func @transform_2(%arg0: i32) -> (i32, i32, i32, i32) {
    %c1_i32 = arith.constant 1 : i32
    %c0_i32 = arith.constant 0 : i32
    %c0_i32_0 = arith.constant 0 : i32
    %c0_i32_1 = arith.constant 0 : i32
    %c0_i32_2 = arith.constant 0 : i32
    return %c1_i32, %c0_i32, %c0_i32_0, %c0_i32_1 : i32, i32, i32, i32
  }
}

</mosaic_0001>

<sc_bundles>
// kernel: kernel.5.cloned.1.call-start
scs
__scs_entry_jumppad:
0x0: {  	(pc) =	sbr.rel $0x88, $3  }
0x1: {  	(tag) =	ssettag $0x0;
	lr =	simm.s32 $0x1  }
0x2: {  	[smem:$0x3F9F] =	sst lr;
	_ =	strace $0xD0000000  }
0x3: {  	_ = 	snop  }
0x4: {  	_ = 	snop  }
0x5: {  	_ = 	snop  }
0x6: {  	_ = 	snop  }
0x7: {  	_ = 	snop  }
__scs_overlays_trampoline_lowered:
0x8: {  	[smem:$0x3FAE] =	sst s0  }
0x9: {  	[smem:$0x3FAF] =	sst s1  }
0xa: {  	[smem:$0x3FB0] =	sst s2  }
0xb: {  	[smem:$0x3FB1] =	sst s3  }
0xc: {  	[smem:$0x3FB2] =	sst s4  }
0xd: {  	[smem:$0x3FB3] =	sst s5  }
0xe: {  	[smem:$0x3FB4] =	sst s6  }
0xf: {  	[smem:$0x3FB5] =	sst s7  }
0x10: {  	[smem:$0x3FB6] =	sst s8  }
0x11: {  	[smem:$0x3FB7] =	sst s9;
	s0 =	simm.s32 @!p0 $0x0  }
0x12: {  	s1 =	sld [smem:$0x3F9D];
	s0 =	simm.s32 @p0 $0x1  }
0x13: {  	[smem:$0x3FB8] =	sst s0;
	s0 =	simm.s32 @!p1 $0x0  }
0x14: {  	s2 =	sld [smem:$0x3F9C];
	s0 =	simm.s32 @p1 $0x1  }
0x15: {  	[smem:$0x3FB9] =	sst s0;
	s0 =	simm.s32 @!p2 $0x0  }
0x16: {  	s3 =	sld [smem:$0x3FDB];
	s0 =	simm.s32 @p2 $0x1  }
0x17: {  	s4 =	simm.s32 $0x1BF5;
	[smem:$0x3FBB] =	sst s0  }
0x18: {  	s0 =	sld [smem:$0x3F9E];
	_ =	swait.ge [sflag:s4], $0x0  }
0x19: {  	s7 =	sld [smem:$0x3F9F]  }
0x1a: {  	s8 =	sadd.s32 $0xFFFFE003, lr  }
0x1b: {  	s9 =	sadd.s32 $0xFFFFFEF7, lr;
	s5 =	simm.s32 $0xFFFFFFFF;
	p2 =	slt.u32 s8, $0xFFFFF086  }
0x1c: {  	p1 =	slt.u32 s9, $0xF7A;
	s5 =	simm.s32 @!p2 $0x0  }
0x1d: {  	s5 =	simm.s32 @p1 $0x1;
	p0 =	seq.s32 s7, s2  }
0x1e: {  	s7 =	smul.u32 @!p0 $0xF7A, s2;
	p2 =	seq.s32 @!p0 s5, $0x0  }
0x1f: {  	s9 =	smul.u32 $0xF7A, s1;
	s8 =	simm.s32 @!p0 $0x1BF5;
	p2 =	por !p2, p0  }
0x20: {  	[sflag:s8] =	ssyncset.s32 @!p0 $0xFFFFF086;
	s6 =	sadd.s32 @!p0 s3, s7;
	s7 =	simm.s32 @!p0 $0x108  }
0x21: {  	s3 =	sadd.s32 s3, s9;
	s6 =	sadd.s32 @!p0 $0x88, s6;
	s7 =	simm.s32 @p2 $0x1082  }
0x22: {  	[simem:s7], [sflag:s8] =	dma.local @!p0 [hbm:s6], $0xF7A  }
0x23: {  	s9 =	sor.u32 $0xD0000000, s2;
	s6 =	simm.s32 $0x108;
	_ =	swait.ge @!p0 [sflag:s8], $0x0  }
0x24: {  	s3 =	sadd.s32 $0x88, s3;
	s6 =	simm.s32 @!p1 $0x1082;
	[sflag:s4] =	ssyncset.s32 $0xFFFFF086  }
0x25: {  	[simem:s6], [sflag:s4] =	dma.local [hbm:s3], $0xF7A  }
0x26: {  	[smem:$0x3F9F] =	sst s1;
	(tag) =	ssettag s2;
	_ =	strace s9  }
0x27: {  	s1 =	sld [smem:$0x3FAF]  }
0x28: {  	s2 =	sld [smem:$0x3FB0]  }
0x29: {  	s4 =	sld [smem:$0x3FB2]  }
0x2a: {  	p0 =	seq.s32 s5, $0x0;
	s5 =	sld [smem:$0x3FB3]  }
0x2b: {  	s6 =	sld [smem:$0x3FB4]  }
0x2c: {  	s7 =	sld [smem:$0x3FB5]  }
0x2d: {  	s3 =	simm.s32 $0x108;
	s8 =	sld [smem:$0x3FB6]  }
0x2e: {  	s3 =	simm.s32 @!p0 $0x1082;
	s9 =	sld [smem:$0x3FB7]  }
0x2f: {  	lr =	sadd.s32 s0, s3;
	s0 =	sld [smem:$0x3FAE]  }
0x30: {  	s3 =	sld [smem:$0x3FB1]  }
0x31: {  	[smem:$0x3FBA] =	sst s10  }
0x32: {  	s10 =	sld [smem:$0x3FB8];
	_ =	sdelay $0x3  }
0x33: {  	p0 =	seq.s32 s10, $0x1;
	s10 =	sld [smem:$0x3FBA];
	_ =	sdelay $0x3  }
0x34: {  	[smem:$0x3FBA] =	sst s10  }
0x35: {  	s10 =	sld [smem:$0x3FB9];
	_ =	sdelay $0x3  }
0x36: {  	p1 =	seq.s32 s10, $0x1;
	s10 =	sld [smem:$0x3FBA];
	_ =	sdelay $0x3  }
0x37: {  	[smem:$0x3FBA] =	sst s10  }
0x38: {  	s10 =	sld [smem:$0x3FBB]  }
0x39: {  	_ = 	snop;
	(pc) =	sbr.ind lr, $3  }
0x3a: {  	_ = 	snop  }
0x3b: {  	_ = 	snop  }
0x3c: {  	p2 =	seq.s32 s10, $0x1;
	s10 =	sld [smem:$0x3FBA]  }
0x3d: {  	_ =	shalt  }
0x3e: {  	_ =	shalt  }
0x3f: {  	_ =	shalt  }
0x40: {  	_ =	shalt  }
0x41: {  	_ =	shalt  }
0x42: {  	_ =	shalt  }
0x43: {  	_ =	shalt  }
0x44: {  	_ =	shalt  }
0x45: {  	_ =	shalt  }
0x46: {  	_ =	shalt  }
0x47: {  	_ =	shalt  }
0x48: {  	_ =	shalt  }
0x49: {  	_ =	shalt  }
0x4a: {  	_ =	shalt  }
0x4b: {  	_ =	shalt  }
0x4c: {  	_ =	shalt  }
0x4d: {  	_ =	shalt  }
0x4e: {  	_ =	shalt  }
0x4f: {  	_ =	shalt  }
0x50: {  	_ =	shalt  }
0x51: {  	_ =	shalt  }
0x52: {  	_ =	shalt  }
0x53: {  	_ =	shalt  }
0x54: {  	_ =	shalt  }
0x55: {  	_ =	shalt  }
0x56: {  	_ =	shalt  }
0x57: {  	_ =	shalt  }
0x58: {  	_ =	shalt  }
0x59: {  	_ =	shalt  }
0x5a: {  	_ =	shalt  }
0x5b: {  	_ =	shalt  }
0x5c: {  	_ =	shalt  }
0x5d: {  	_ =	shalt  }
0x5e: {  	_ =	shalt  }
0x5f: {  	_ =	shalt  }
0x60: {  	_ =	shalt  }
0x61: {  	_ =	shalt  }
0x62: {  	_ =	shalt  }
0x63: {  	_ =	shalt  }
0x64: {  	_ =	shalt  }
0x65: {  	_ =	shalt  }
0x66: {  	_ =	shalt  }
0x67: {  	_ =	shalt  }
0x68: {  	_ =	shalt  }
0x69: {  	_ =	shalt  }
0x6a: {  	_ =	shalt  }
0x6b: {  	_ =	shalt  }
0x6c: {  	_ =	shalt  }
0x6d: {  	_ =	shalt  }
0x6e: {  	_ =	shalt  }
0x6f: {  	_ =	shalt  }
0x70: {  	_ =	shalt  }
0x71: {  	_ =	shalt  }
0x72: {  	_ =	shalt  }
0x73: {  	_ =	shalt  }
0x74: {  	_ =	shalt  }
0x75: {  	_ =	shalt  }
0x76: {  	_ =	shalt  }
0x77: {  	_ =	shalt  }
0x78: {  	_ =	shalt  }
0x79: {  	_ =	shalt  }
0x7a: {  	_ =	shalt  }
0x7b: {  	_ =	shalt  }
0x7c: {  	_ =	shalt  }
0x7d: {  	_ =	shalt  }
0x7e: {  	_ =	shalt  }
0x7f: {  	_ =	shalt  }
0x80: {  	_ =	shalt  }
0x81: {  	_ =	shalt  }
0x82: {  	_ =	shalt  }
0x83: {  	_ =	shalt  }
0x84: {  	_ =	shalt  }
0x85: {  	_ =	shalt  }
0x86: {  	_ =	shalt  }
0x87: {  	_ =	shalt  }
.Lfunc_end0:
.L_simem_size_0:
called_computation_lowered:
.L_overlay_start_0:
0x88: {  	s0 =	sld [smem:$0x3FD9]  }
0x89: {  	s1 =	sld [smem:$0x3FFE];
	_ =	sdelay $0x3  }
0x8a: {  	s0 =	sadd.s32 s1, s0  }
0x8b: {  	[smem:$0x3FC6] =	sst s0  }
0x8c: {  	_ = 	snop  }
0x8d: {  	s0 =	sld [smem:$0x3FD0];
	_ =	sdelay $0x1  }
0x8e: {  	s14 =	sld [smem:$0x3FC9]  }
0x8f: {  	s3 =	simm.s32 $0xA;
	s4 =	simm.s32 $0x10;
	s2 =	sld [smem:$0x3FC8]  }
0x90: {  	[smem:s4], [sflag:s3] =	dma.local [hbm:s0], $0x1  }
0x91: {  	_ =	swait.eq [sflag:s3], $0x1  }
0x92: {  	[sflag:s3] =	ssyncset.done $0x0  }
0x93: {  	[sflag:s3] =	ssyncadd.s32 $0xFFFFFFFF  }
0x94: {  	s15 =	sld [smem:$0x10];
	(tm) =	ssettm $0x1  }
0x95: {  	s16 =	sld [smem:$0x3FFB];
	_ =	sdelay $0x3  }
0x96: {  	_ =	strace s16  }
0x97: {  	s3 =	sld [smem:$0x3FFC];
	_ =	sdelay $0x3  }
0x98: {  	_ =	strace s3  }
0x99: {  	s3 =	sld [smem:$0x3FFD];
	_ =	sdelay $0x3  }
0x9a: {  	_ =	strace s3  }
0x9b: {  	_ =	strace $0x8FFFFFFF  }
0x9c: {  	s17 =	sld [smem:$0x3FDB];
	_ =	sdelay $0x1  }
0x9d: {  	s18 =	simm.s32 $_scs_section_size  }
0x9e: {  	s5 =	simm.s32 $_size__tile_overlayer_lowered;
	s6 =	simm.s32 $_tile_overlayer_lowered  }
0x9f: {  	s21 =	simm.s32 $0x1BFF;
	s20 =	sshll.u32 s6, $0x1;
	s3 =	sadd.s32 s18, s17  }
0xa0: {  	s7 =	simm.s32 $0x0;
	s19 =	sshll.u32 s5, $0x1;
	s5 =	sadd.s32 s20, s3  }
0xa1: {  	[timem:s7], [sflag:s21] =	dma.local [hbm:s5], s19  }
0xa2: {  	_ =	swait.ge [sflag:s21], s19  }
0xa3: {  	s4 =	ssub.s32 $0x0, s19;
	[sflag:s21] =	ssyncset.done $0x0  }
0xa4: {  	[sflag:s21] =	ssyncadd.s32 s4;
	_ =	sdelay $0x1  }
0xa5: {  	s22 =	simm.s32 $0x1B8B  }
0xa6: {  	_ =	swait.ge [sflag:s22], $0x1  }
0xa7: {  	[sflag:s22] =	ssyncset.done $0x0  }
0xa8: {  	s23 =	simm.s32 $0x1B8E;
	[sflag:s22] =	ssyncadd.s32 $0xFFFFFFFF  }
0xa9: {  	s24 =	simm.s32 $execute0_lowered;
	[smem:$0x3FD2] =	sst s23  }
0xaa: {  	s4 =	sshll.u32 s24, $0x1;
	_ =	strace $0x80000046;
	[dreg:$0x1] =	wrdreg $0xFFFFFFFF  }
0xab: {  	s25 =	simm.s32 $_size_execute0_lowered;
	s3 =	sadd.s32 s3, s4;
	[dreg:$0x0] =	wrdreg $0x0  }
0xac: {  	s4 =	sshll.u32 s25, $0x1;
	[dreg:$0x2] =	wrdreg s3  }
0xad: {  	[dreg:$0x3] =	wrdreg s4  }
0xae: {  	[dreg:$0x4] =	wrdreg $0xC0  }
0xaf: {  	_ =	task [dreg:s7], $0x5FFFF  }
0xb0: {  	[dreg:$0x1] =	wrdreg $0xFFFFFFFF  }
0xb1: {  	[dreg:$0x0] =	wrdreg $0x60  }
0xb2: {  	[dreg:$0x2] =	wrdreg s14  }
0xb3: {  	[dreg:$0x3] =	wrdreg s2  }
0xb4: {  	[dreg:$0x4] =	wrdreg s15  }
0xb5: {  	[dreg:$0x5] =	wrdreg $0x9  }
0xb6: {  	_ =	task.clear_ibuf [dreg:s7], $0x6FFFF;
	_ =	strace $0x90000046  }
0xb7: {  	s26 =	simm.s32 $0x9;
	_ =	strace $0x80000048  }
0xb8: {  	_ =	swait.ge [sflag:s26], $0x1  }
0xb9: {  	[sflag:s26] =	ssyncadd.s32 $0xFFFFFFFF  }
0xba: {  	_ =	strace $0x90000048  }
0xbb: {  	_ =	sfence  }
0xbc: {  	s28 =	sld [smem:$0x0];
	_ =	sdelay $0x1  }
0xbd: {  	s29 =	srdreg.scid  }
0xbe: {  	s30 =	sshll.u32 s29, $0xD;
	s31 =	sshrl.u32 s29, $0x2  }
0xbf: {  	s1 =	sand.u32 $0x1, s29;
	s2 =	sand.u32 $0x4000, s30;
	s0 =	sadd.s32 s31, s28  }
0xc0: {  	s1 =	sor.u32 s2, s1;
	s0 =	sshll.u32 s0, $0x11  }
0xc1: {  	s0 =	sor.u32 s0, s1  }
0xc2: {  	s0 =	sadd.s32 $0x8F2B, s0  }
0xc3: {  	[sflag:s0] =	ssyncadd.remote.s32 $0x1  }
0xc4: {  	_ =	sfence.sel $0xFFFF  }
0xc5: {  	[dreg:$0x0] =	wrdreg $0xFFFFFFFF;
	(pc) =	sbr.abs _section_cstart, $3  }
0xc6: {  	[dreg:$0x1] =	wrdreg $0xFFFFFFFF  }
0xc7: {  	_ =	task.clear_ibuf [dreg:s7], $0x2FFFF;
	_ =	strace $0x9FFFFFFF  }
0xc8: {  	(tm) =	ssettm $0x7FFFFFFF  }
0xc9: {  	_ =	shalt  }
tec
execute0_lowered:
.L_overlay_start_1:
0x0: {  	(tag) =	ssettag $0x1  }
0x1: {  	s1 =	rddreg [dreg:$0x0]  }
0x2: {  	s2 =	rddreg [dreg:$0x1]  }
0x3: {  	s3 =	rddreg [dreg:$0x2];
	s4 =	simm.s32 $0x0;
	s5 =	stileid.u32  }
0x4: {  	[smem:$0x7FF] =	sst s4;
	p0 =	sne.s32 s5, $0x0  }
0x5: {  	s0 =	rddreg [dreg:$0x3];
	_ =	strace $0x80000047;
	s4 =	simm.s32 @!p0 $0x0  }
0x6: {  	[tilespmem:s4], [sflag:$0x1] =	stream.linear.gather @!p0 [hbm4b:s1+s4], $0x80, $0x38;
	[tilespmem:$0x100] =	vst v63  }
0x7: {  	s1 =	simm.s32 @!p0 $0x1  }
0x8: {  	_ =	swait.ge @!p0 [sflag:s1], $0x80  }
0x9: {  	[sflag:s1] =	ssyncset.done @!p0 $0x0  }
0xa: {  	s2 =	sadd.s32 @!p0 $0x100010, s2;
	s5 =	simm.s32 @!p0 $0x80;
	[sflag:s1] =	ssyncadd.s32 @!p0 $0xFFFFFF80  }
0xb: {  	[tilespmem:s5], [sflag:$0x1] =	stream.linear.gather @!p0 [hbm4b:s2+s4], $0x80, $0x38;
	[tilespmem:$0x100] =	vst v63  }
0xc: {  	_ =	swait.ge @!p0 [sflag:s1], $0x80  }
0xd: {  	[sflag:s1] =	ssyncset.done @!p0 $0x0  }
0xe: {  	[sflag:s1] =	ssyncadd.s32 @!p0 $0xFFFFFF80  }
0xf: {  	v0 =	vld @!p0 [tilespmem:$0x80]  }
0x10: {  	v1 =	vld @!p0 [tilespmem:$0x0]  }
0x11: {  	v2 =	vld @!p0 [tilespmem:$0x90]  }
0x12: {  	v3 =	vld @!p0 [tilespmem:$0x10]  }
0x13: {  	v4 =	vld @!p0 [tilespmem:$0xA0]  }
0x14: {  	v5 =	vld @!p0 [tilespmem:$0x20]  }
0x15: {  	v6 =	vld @!p0 [tilespmem:$0xB0]  }
0x16: {  	v7 =	vld @!p0 [tilespmem:$0x30]  }
0x17: {  	v8 =	vld @!p0 [tilespmem:$0xC0]  }
0x18: {  	v9 =	vld @!p0 [tilespmem:$0x40]  }
0x19: {  	v10 =	vld @!p0 [tilespmem:$0xD0]  }
0x1a: {  	v11 =	vld @!p0 [tilespmem:$0x50];
	v1 =	vadd.f32 @!p0 v1, v1  }
0x1b: {  	v12 =	vld @!p0 [tilespmem:$0x60];
	v3 =	vadd.f32 @!p0 v3, v3  }
0x1c: {  	v0 =	vadd.f32 @!p0 v1, v0;
	v1 =	vadd.f32 @!p0 v5, v5;
	v5 =	vld @!p0 [tilespmem:$0x70]  }
0x1d: {  	v2 =	vadd.f32 @!p0 v3, v2;
	v3 =	vadd.f32 @!p0 v7, v7;
	v7 =	vld @!p0 [tilespmem:$0xE0]  }
0x1e: {  	[tilespmem:$0x80] =	vst @!p0 v0;
	v0 =	vadd.f32 @!p0 v1, v4;
	v1 =	vadd.f32 @!p0 v9, v9;
	v4 =	vld @!p0 [tilespmem:$0xF0]  }
0x1f: {  	[tilespmem:$0x90] =	vst @!p0 v2;
	v2 =	vadd.f32 @!p0 v3, v6;
	v3 =	vadd.f32 @!p0 v11, v11  }
0x20: {  	[tilespmem:$0xA0] =	vst @!p0 v0;
	v0 =	vadd.f32 @!p0 v1, v8;
	v1 =	vadd.f32 @!p0 v12, v12  }
0x21: {  	[tilespmem:$0xB0] =	vst @!p0 v2;
	v2 =	vadd.f32 @!p0 v3, v10;
	v3 =	vadd.f32 @!p0 v5, v5  }
0x22: {  	[tilespmem:$0xC0] =	vst @!p0 v0;
	v0 =	vadd.f32 @!p0 v1, v7  }
0x23: {  	[tilespmem:$0xD0] =	vst @!p0 v2;
	v1 =	vadd.f32 @!p0 v3, v4  }
0x24: {  	[tilespmem:$0xE0] =	vst @!p0 v0  }
0x25: {  	[tilespmem:$0xF0] =	vst @!p0 v1  }
0x26: {  	[hbm4b:s3+s4] =	stream.linear.scatter @!p0 [tilespmem:s5], [sflag:$0x1], $0x80, $0x38;
	[tilespmem:$0x100] =	vst v63  }
0x27: {  	_ =	swait.ge @!p0 [sflag:s1], $0x80  }
0x28: {  	[sflag:s1] =	ssyncset.done @!p0 $0x0  }
0x29: {  	[sflag:s1] =	ssyncadd.s32 @!p0 $0xFFFFFF80  }
0x2a: {  	_ =	sfence.sel $0x180000  }
0x2b: {  	[bflag:$0x0] =	sbarrier.arrive $0xFFFF  }
0x2c: {  	_ =	strace $0x90000047  }
0x2d: {  	s0 =	sadd.s32 @!p0 $0x100000, s0;
	[bflag:$0x2] =	sbarrier.arrive $0xFFFF  }
0x2e: {  	[sflag:s0] =	ssyncadd.tile.s32 @!p0 $0x1;
	_ =	shalt  }
.Lfunc_end2:
_tile_overlayer_lowered:
.L_overlay_start_2:
0x2f: {  	(tag) =	ssettag $0x2  }
0x30: {  	s0 =	rddreg [dreg:$0x0];
	s2 =	stileid.u32  }
0x31: {  	s1 =	rddreg [dreg:$0x1];
	p0 =	sne.s32 s2, $0x0  }
0x32: {  	s3 =	rddreg [dreg:$0x2];
	[bflag:$0x3] =	sbarrier.arrive $0xFFFF;
	s2 =	simm.s32 @!p0 $0x1C01  }
0x33: {  	[timem:s3], [sflag:s2] =	dma.local @!p0 [hbm:s0], s1  }
0x34: {  	s0 =	simm.s32 @!p0 $0x1  }
0x35: {  	_ =	swait.ge @!p0 [sflag:s0], s1  }
0x36: {  	s1 =	ssub.s32 @!p0 $0x0, s1;
	[sflag:s0] =	ssyncset.done @!p0 $0x0  }
0x37: {  	[sflag:s0] =	ssyncadd.s32 @!p0 s1  }
0x38: {  	[bflag:$0x3] =	sbarrier.arrive $0xFFFF  }
0x39: {  	_ =	shalt  }

</sc_bundles>
